<compile_context>
chip_gen: v7x
topology: tpu7x:2x2x1
jax: 0.10.2.dev20260603
libtpu: 0.0.44.dev20260713+nightly
codegen_flags: <defaults>
</compile_context>

<pallas_src>
import functools

import jax
import jax.numpy as jnp
from jax import lax
from jax.experimental import pallas as pl
from jax.experimental.pallas import tpu as pltpu
from jax.experimental.pallas import tpu_sc as plsc

KN = 3
B = 4
C = 128
N = 2048
R = 512
NBLK = N // R
NB_C = 512


def _topk_body(xb_ref, xl_ref, xt_ref, idx_ref):
    b = pl.program_id(0)
    xb = xb_ref[0]
    xl = xl_ref[0]
    dot2 = lax.dot_general(
        (2.0 * xl).astype(jnp.bfloat16), xb.astype(jnp.bfloat16),
        (((0,), (0,)), ((), ())),
        preferred_element_type=jnp.float32)
    i = pl.program_id(1)
    nm = jnp.sum(xb * xb, axis=0, keepdims=True)
    nl = jnp.sum(xl * xl, axis=0)[:, None]
    iota_f = lax.broadcasted_iota(jnp.int32, (R, N), 1).astype(jnp.float32)
    row_f = (lax.broadcasted_iota(jnp.int32, (R, 1), 0).astype(jnp.float32)
             + (i * R).astype(jnp.float32))
    dist = jnp.where(iota_f == row_f, jnp.inf,
                     (nl + nm) - dot2)
    inds = []
    for k in range(KN - 1):
        mval = jnp.min(dist, axis=1, keepdims=True)
        cand = jnp.where(dist == mval, iota_f, float(N))
        ind_f = jnp.min(cand, axis=1, keepdims=True)
        inds.append(ind_f)
        if k + 2 < KN:
            dist = jnp.where(cand == ind_f, jnp.inf, dist)
    ind_all = jnp.concatenate(inds, axis=1).T
    idx_ref[:, 0, 0, :] = ind_all.astype(jnp.int32) + b * N
    xt_ref[...] = xl.T


def _topk_stage(x):
    return pl.pallas_call(
        _topk_body,
        grid=(B, NBLK),
        in_specs=[
            pl.BlockSpec((1, C, N), lambda b, i: (b, 0, 0)),
            pl.BlockSpec((1, C, R), lambda b, i: (b, 0, i)),
        ],
        out_specs=[
            pl.BlockSpec((R, C), lambda b, i: (b * NBLK + i, 0)),
            pl.BlockSpec((KN - 1, 1, 1, R),
                         lambda b, i: (0, b * NBLK + i, 0, 0)),
        ],
        out_shape=[
            jax.ShapeDtypeStruct((B * N, C), jnp.float32),
            jax.ShapeDtypeStruct((KN - 1, B * NBLK, 1, R), jnp.int32),
        ],
        compiler_params=pltpu.CompilerParams(
            dimension_semantics=("parallel", "parallel")),
    )(x, x)


_NC = 2
_NS = 16
_NW = _NC * _NS
_TOTAL = (KN - 1) * B * N
_PER_W = _TOTAL // _NW
_CH = 128
_NCHUNK = _PER_W // _CH


def _gather_stage(table, idx_flat):
    mesh = plsc.VectorSubcoreMesh(core_axis_name="c", subcore_axis_name="s")

    @functools.partial(
        pl.kernel,
        mesh=mesh,
        out_type=jax.ShapeDtypeStruct((_TOTAL, C), jnp.float32),
        scratch_types=[
            pltpu.VMEM((_PER_W,), jnp.int32),
            pltpu.VMEM((_PER_W, C), jnp.float32),
            pltpu.SemaphoreType.DMA,
            pltpu.SemaphoreType.DMA,
        ],
    )
    def gather_kernel(table_hbm, idx_hbm, out_hbm, idx_v, rows_v, sem, sem2):
        wid = lax.axis_index("s") * _NC + lax.axis_index("c")
        base = wid * _PER_W
        pltpu.sync_copy(idx_hbm.at[pl.ds(base, _PER_W)], idx_v)
        copies = [
            pltpu.async_copy(
                table_hbm.at[idx_v.at[pl.ds(ci * _CH, _CH)]],
                rows_v.at[pl.ds(ci * _CH, _CH)], sem)
            for ci in range(_NCHUNK)
        ]
        outs = []
        for ci, cp in enumerate(copies):
            cp.wait()
            outs.append(pltpu.async_copy(
                rows_v.at[pl.ds(ci * _CH, _CH)],
                out_hbm.at[pl.ds(base + ci * _CH, _CH)], sem2))
        for oc in outs:
            oc.wait()

    return gather_kernel(table, idx_flat)


def _conv_body(t_ref, g_ref, w_ref, b_ref, out_ref):
    acc = lax.dot_general(
        w_ref[0], t_ref[0], (((1,), (1,)), ((), ())),
        preferred_element_type=jnp.float32,
        precision=lax.Precision.HIGHEST)
    for k in range(1, KN):
        acc = acc + lax.dot_general(
            w_ref[k], g_ref[k - 1, 0], (((1,), (1,)), ((), ())),
            preferred_element_type=jnp.float32,
            precision=lax.Precision.HIGHEST)
    out_ref[0] = jnp.maximum(acc + b_ref[0][:, None], 0.0)


def _conv_stage(t3, g, wt, bias):
    return pl.pallas_call(
        _conv_body,
        grid=(B, N // NB_C),
        in_specs=[
            pl.BlockSpec((1, NB_C, C), lambda b, j: (b, j, 0)),
            pl.BlockSpec((KN - 1, 1, NB_C, C), lambda b, j: (0, b, j, 0)),
            pl.BlockSpec((KN, C, C), lambda b, j: (0, 0, 0)),
            pl.BlockSpec((1, C), lambda b, j: (0, 0)),
        ],
        out_specs=pl.BlockSpec((1, C, NB_C), lambda b, j: (b, 0, j)),
        out_shape=jax.ShapeDtypeStruct((B, C, N), jnp.float32),
        compiler_params=pltpu.CompilerParams(
            dimension_semantics=("parallel", "parallel")),
    )(t3, g, wt, bias)


def kernel(x, W, b):
    table, idx = _topk_stage(x)
    idx_flat = idx.reshape(_TOTAL)
    g = _gather_stage(table, idx_flat)
    g4 = g.reshape(KN - 1, B, N, C)
    t3 = table.reshape(B, N, C)
    wt = jnp.transpose(W, (2, 0, 1))
    bias2 = b.reshape(1, C)
    return _conv_stage(t3, g4, wt, bias2)

# --- scband reference (transcript-rebuilt; emitter-appended) ---
"""Pipeline reference for scband-conv1d-nn-18657337934497 (READ-ONLY COPY).

The authoritative reference and input builder live on the scoring server;
editing this copy changes nothing except your own understanding.
"""

import jax, jax.numpy as jnp
import numpy as np

K_NEIGHBORS = 3


def setup_inputs(seed: int = 0) -> dict:
    key = jax.random.key(seed)
    k1, k2, k3 = jax.random.split(key, 3)
    x = jax.random.normal(k1, (4, 128, 2048), dtype=jnp.float32)
    # Conv1d weight: (out_channels, in_channels, kernel_size=K)
    W = jax.random.normal(k2, (128, 128, K_NEIGHBORS), dtype=jnp.float32) * 0.05
    b = jax.random.normal(k3, (128,), dtype=jnp.float32) * 0.01
    return {"x": x, "W": W, "b": b}


def reference(x, W, b):
    # x: [B, C, N]
    Kn = K_NEIGHBORS
    # pairwise squared-euclidean distance matrix over the N axis
    norm_sq = jnp.sum(x ** 2, axis=1, keepdims=True)          # [B, 1, N]
    dot = jnp.einsum('bcn,bcm->bnm', x, x)                     # [B, N, N]
    dist = norm_sq + jnp.transpose(norm_sq, (0, 2, 1)) - 2.0 * dot  # [B, N, N]
    # K smallest distances per query row (includes self, dist 0)
    _, ind = jax.lax.top_k(-dist, Kn)                          # [B, N, K]
    # gather neighbors: per batch, x_b[:, ind_b] -> [C, N, K]
    def gather_b(xb, ib):
        return xb[:, ib]
    neigh = jax.vmap(gather_b)(x, ind)                         # [B, C, N, K]
    B, C, N, Kk = neigh.shape
    prime = neigh.reshape(B, C, N * Kk)                        # flatten start_dim=1 per channel
    # Conv1d kernel_size=K, stride=K, padding=0 -> output length N
    out = jax.lax.conv_general_dilated(
        prime, W, window_strides=(Kn,), padding='VALID',
        dimension_numbers=('NCH', 'OIH', 'NCH'))
    out = out + b[None, :, None]
    return jax.nn.relu(out)

if __name__ == "__main__":
    import jax
    _d = setup_inputs()
    print(jax.jit(kernel)(*tuple(_d.values())))

</pallas_src>

<mosaic_0001>
#map = affine_map<(d0, d1) -> (0, 0)>
#map1 = affine_map<(d0, d1) -> (0)>
module attributes {stable_mosaic.version = 14 : i64} {
  func.func @gather_kernel(%arg0: i32, %arg1: i32, %arg2: memref<8192x128xf32, #tpu.memory_space<hbm>>, %arg3: memref<16384xi32, #tpu.memory_space<hbm>>, %arg4: memref<16384x128xf32, #tpu.memory_space<hbm>>, %arg5: memref<512xi32, #tpu.memory_space<vmem>>, %arg6: memref<512x128xf32, #tpu.memory_space<vmem>>, %arg7: memref<!tpu.dma_semaphore, #tpu.memory_space<semaphore_mem>>, %arg8: memref<!tpu.dma_semaphore, #tpu.memory_space<semaphore_mem>>) attributes {dimension_semantics = [#tpu.dimension_semantics<core_parallel>, #tpu.dimension_semantics<subcore_parallel>], iteration_bounds = array<i64: 2, 16>, scalar_prefetch = 0 : i64, scratch_operands = 4 : i64, tpu.core_type = #tpu.core_type<sc_vector_subcore>, window_params = [{transform_indices = #map}, {transform_indices = #map1}, {transform_indices = #map}]} {
    %mul3A = arith.constant 2 : i32
    %mul3A_0 = arith.muli %arg1, %mul3A : i32
    %add3A = arith.addi %mul3A_0, %arg0 : i32
    %mul3A_1 = arith.constant 512 : i32
    %mul3A_2 = arith.muli %add3A, %mul3A_1 : i32
    "tpu.region"() ({
      %run_scoped3A = tpu.sem_alloc : memref<!tpu.dma_semaphore, #tpu.memory_space<semaphore_mem>>
      %dma_start3A_153 = tpu.memref_slice %arg3[%mul3A_2] : memref<16384xi32, #tpu.memory_space<hbm>> -> memref<512xi32, #tpu.memory_space<hbm>>
      %dma_start3A_154 = tpu.memref_slice %arg3[%mul3A_2] : memref<16384xi32, #tpu.memory_space<hbm>> -> memref<512xi32, #tpu.memory_space<hbm>>
      tpu.enqueue_dma source(%dma_start3A_154 : memref<512xi32, #tpu.memory_space<hbm>>) target(%arg5 : memref<512xi32, #tpu.memory_space<vmem>>) target_semaphore(%run_scoped3A : memref<!tpu.dma_semaphore, #tpu.memory_space<semaphore_mem>>)
      %dma_wait3A_155 = tpu.memref_slice %arg3[%mul3A_2] : memref<16384xi32, #tpu.memory_space<hbm>> -> memref<512xi32, #tpu.memory_space<hbm>>
      %dma_wait3A_156 = tpu.memref_slice %arg3[%mul3A_2] : memref<16384xi32, #tpu.memory_space<hbm>> -> memref<512xi32, #tpu.memory_space<hbm>>
      tpu.wait_dma2 semaphore(%run_scoped3A : memref<!tpu.dma_semaphore, #tpu.memory_space<semaphore_mem>>) src(%dma_wait3A_156 : memref<512xi32, #tpu.memory_space<hbm>>) dst(%arg5 : memref<512xi32, #tpu.memory_space<vmem>>)
      tpu.yield
    }) : () -> ()
    %dma_start3A = arith.constant 0 : i32
    %dma_start3A_3 = arith.constant 0 : i32
    %dma_start3A_4 = tpu.memref_slice %arg6[%dma_start3A, %dma_start3A_3] : memref<512x128xf32, #tpu.memory_space<vmem>> -> memref<128x128xf32, #tpu.memory_space<vmem>>
    %dma_start3A_5 = arith.constant 0 : i32
    %dma_start3A_6 = tpu.memref_slice %arg5[%dma_start3A_5] : memref<512xi32, #tpu.memory_space<vmem>> -> memref<128xi32, #tpu.memory_space<vmem>>
    %dma_start3A_7 = arith.constant 0 : i32
    %dma_start3A_8 = arith.constant 0 : i32
    %dma_start3A_9 = tpu.memref_slice %arg2[%dma_start3A_7, %dma_start3A_8] : memref<8192x128xf32, #tpu.memory_space<hbm>> -> memref<8192x128xf32, #tpu.memory_space<hbm>>
    tpu.enqueue_indirect_dma source(%dma_start3A_9 : memref<8192x128xf32, #tpu.memory_space<hbm>>) target(%dma_start3A_4 : memref<128x128xf32, #tpu.memory_space<vmem>>) offsets(%dma_start3A_6 : memref<128xi32, #tpu.memory_space<vmem>>) semaphore(%arg7 : memref<!tpu.dma_semaphore, #tpu.memory_space<semaphore_mem>>)
    %dma_start3A_10 = arith.constant 128 : i32
    %dma_start3A_11 = arith.constant 0 : i32
    %dma_start3A_12 = tpu.memref_slice %arg6[%dma_start3A_10, %dma_start3A_11] : memref<512x128xf32, #tpu.memory_space<vmem>> -> memref<128x128xf32, #tpu.memory_space<vmem>>
    %dma_start3A_13 = arith.constant 128 : i32
    %dma_start3A_14 = tpu.memref_slice %arg5[%dma_start3A_13] : memref<512xi32, #tpu.memory_space<vmem>> -> memref<128xi32, #tpu.memory_space<vmem>>
    %dma_start3A_15 = arith.constant 0 : i32
    %dma_start3A_16 = arith.constant 0 : i32
    %dma_start3A_17 = tpu.memref_slice %arg2[%dma_start3A_15, %dma_start3A_16] : memref<8192x128xf32, #tpu.memory_space<hbm>> -> memref<8192x128xf32, #tpu.memory_space<hbm>>
    tpu.enqueue_indirect_dma source(%dma_start3A_17 : memref<8192x128xf32, #tpu.memory_space<hbm>>) target(%dma_start3A_12 : memref<128x128xf32, #tpu.memory_space<vmem>>) offsets(%dma_start3A_14 : memref<128xi32, #tpu.memory_space<vmem>>) semaphore(%arg7 : memref<!tpu.dma_semaphore, #tpu.memory_space<semaphore_mem>>)
    %dma_start3A_18 = arith.constant 256 : i32
    %dma_start3A_19 = arith.constant 0 : i32
    %dma_start3A_20 = tpu.memref_slice %arg6[%dma_start3A_18, %dma_start3A_19] : memref<512x128xf32, #tpu.memory_space<vmem>> -> memref<128x128xf32, #tpu.memory_space<vmem>>
    %dma_start3A_21 = arith.constant 256 : i32
    %dma_start3A_22 = tpu.memref_slice %arg5[%dma_start3A_21] : memref<512xi32, #tpu.memory_space<vmem>> -> memref<128xi32, #tpu.memory_space<vmem>>
    %dma_start3A_23 = arith.constant 0 : i32
    %dma_start3A_24 = arith.constant 0 : i32
    %dma_start3A_25 = tpu.memref_slice %arg2[%dma_start3A_23, %dma_start3A_24] : memref<8192x128xf32, #tpu.memory_space<hbm>> -> memref<8192x128xf32, #tpu.memory_space<hbm>>
    tpu.enqueue_indirect_dma source(%dma_start3A_25 : memref<8192x128xf32, #tpu.memory_space<hbm>>) target(%dma_start3A_20 : memref<128x128xf32, #tpu.memory_space<vmem>>) offsets(%dma_start3A_22 : memref<128xi32, #tpu.memory_space<vmem>>) semaphore(%arg7 : memref<!tpu.dma_semaphore, #tpu.memory_space<semaphore_mem>>)
    %dma_start3A_26 = arith.constant 384 : i32
    %dma_start3A_27 = arith.constant 0 : i32
    %dma_start3A_28 = tpu.memref_slice %arg6[%dma_start3A_26, %dma_start3A_27] : memref<512x128xf32, #tpu.memory_space<vmem>> -> memref<128x128xf32, #tpu.memory_space<vmem>>
    %dma_start3A_29 = arith.constant 384 : i32
    %dma_start3A_30 = tpu.memref_slice %arg5[%dma_start3A_29] : memref<512xi32, #tpu.memory_space<vmem>> -> memref<128xi32, #tpu.memory_space<vmem>>
    %dma_start3A_31 = arith.constant 0 : i32
    %dma_start3A_32 = arith.constant 0 : i32
    %dma_start3A_33 = tpu.memref_slice %arg2[%dma_start3A_31, %dma_start3A_32] : memref<8192x128xf32, #tpu.memory_space<hbm>> -> memref<8192x128xf32, #tpu.memory_space<hbm>>
    tpu.enqueue_indirect_dma source(%dma_start3A_33 : memref<8192x128xf32, #tpu.memory_space<hbm>>) target(%dma_start3A_28 : memref<128x128xf32, #tpu.memory_space<vmem>>) offsets(%dma_start3A_30 : memref<128xi32, #tpu.memory_space<vmem>>) semaphore(%arg7 : memref<!tpu.dma_semaphore, #tpu.memory_space<semaphore_mem>>)
    %dma_wait3A = arith.constant 0 : i32
    %dma_wait3A_34 = arith.constant 0 : i32
    %dma_wait3A_35 = tpu.memref_slice %arg6[%dma_wait3A, %dma_wait3A_34] : memref<512x128xf32, #tpu.memory_space<vmem>> -> memref<128x128xf32, #tpu.memory_space<vmem>>
    %dma_wait3A_36 = arith.constant 0 : i32
    %dma_wait3A_37 = tpu.memref_slice %arg5[%dma_wait3A_36] : memref<512xi32, #tpu.memory_space<vmem>> -> memref<128xi32, #tpu.memory_space<vmem>>
    %dma_wait3A_38 = arith.constant 0 : i32
    %dma_wait3A_39 = arith.constant 0 : i32
    %dma_wait3A_40 = tpu.memref_slice %arg2[%dma_wait3A_38, %dma_wait3A_39] : memref<8192x128xf32, #tpu.memory_space<hbm>> -> memref<8192x128xf32, #tpu.memory_space<hbm>>
    tpu.wait_indirect_dma semaphore(%arg7 : memref<!tpu.dma_semaphore, #tpu.memory_space<semaphore_mem>>) src(%dma_wait3A_40 : memref<8192x128xf32, #tpu.memory_space<hbm>>) dst(%dma_wait3A_35 : memref<128x128xf32, #tpu.memory_space<vmem>>)
    %add3A_41 = arith.constant 0 : i32
    %add3A_42 = arith.addi %mul3A_2, %add3A_41 : i32
    %dma_start3A_43 = arith.constant 0 : i32
    %dma_start3A_44 = arith.constant 0 : i32
    %dma_start3A_45 = tpu.memref_slice %arg6[%dma_start3A_43, %dma_start3A_44] : memref<512x128xf32, #tpu.memory_space<vmem>> -> memref<128x128xf32, #tpu.memory_space<vmem>>
    %dma_start3A_46 = arith.constant 0 : i32
    %dma_start3A_47 = tpu.memref_slice %arg4[%add3A_42, %dma_start3A_46] : memref<16384x128xf32, #tpu.memory_space<hbm>> -> memref<128x128xf32, #tpu.memory_space<hbm>>
    %dma_start3A_48 = arith.constant 0 : i32
    %dma_start3A_49 = tpu.memref_slice %arg4[%add3A_42, %dma_start3A_48] : memref<16384x128xf32, #tpu.memory_space<hbm>> -> memref<128x128xf32, #tpu.memory_space<hbm>>
    %dma_start3A_50 = arith.constant 0 : i32
    %dma_start3A_51 = arith.constant 0 : i32
    %dma_start3A_52 = tpu.memref_slice %arg6[%dma_start3A_50, %dma_start3A_51] : memref<512x128xf32, #tpu.memory_space<vmem>> -> memref<128x128xf32, #tpu.memory_space<vmem>>
    tpu.enqueue_dma source(%dma_start3A_52 : memref<128x128xf32, #tpu.memory_space<vmem>>) target(%dma_start3A_49 : memref<128x128xf32, #tpu.memory_space<hbm>>) target_semaphore(%arg8 : memref<!tpu.dma_semaphore, #tpu.memory_space<semaphore_mem>>)
    %dma_wait3A_53 = arith.constant 128 : i32
    %dma_wait3A_54 = arith.constant 0 : i32
    %dma_wait3A_55 = tpu.memref_slice %arg6[%dma_wait3A_53, %dma_wait3A_54] : memref<512x128xf32, #tpu.memory_space<vmem>> -> memref<128x128xf32, #tpu.memory_space<vmem>>
    %dma_wait3A_56 = arith.constant 128 : i32
    %dma_wait3A_57 = tpu.memref_slice %arg5[%dma_wait3A_56] : memref<512xi32, #tpu.memory_space<vmem>> -> memref<128xi32, #tpu.memory_space<vmem>>
    %dma_wait3A_58 = arith.constant 0 : i32
    %dma_wait3A_59 = arith.constant 0 : i32
    %dma_wait3A_60 = tpu.memref_slice %arg2[%dma_wait3A_58, %dma_wait3A_59] : memref<8192x128xf32, #tpu.memory_space<hbm>> -> memref<8192x128xf32, #tpu.memory_space<hbm>>
    tpu.wait_indirect_dma semaphore(%arg7 : memref<!tpu.dma_semaphore, #tpu.memory_space<semaphore_mem>>) src(%dma_wait3A_60 : memref<8192x128xf32, #tpu.memory_space<hbm>>) dst(%dma_wait3A_55 : memref<128x128xf32, #tpu.memory_space<vmem>>)
    %add3A_61 = arith.constant 128 : i32
    %add3A_62 = arith.addi %mul3A_2, %add3A_61 : i32
    %dma_start3A_63 = arith.constant 128 : i32
    %dma_start3A_64 = arith.constant 0 : i32
    %dma_start3A_65 = tpu.memref_slice %arg6[%dma_start3A_63, %dma_start3A_64] : memref<512x128xf32, #tpu.memory_space<vmem>> -> memref<128x128xf32, #tpu.memory_space<vmem>>
    %dma_start3A_66 = arith.constant 0 : i32
    %dma_start3A_67 = tpu.memref_slice %arg4[%add3A_62, %dma_start3A_66] : memref<16384x128xf32, #tpu.memory_space<hbm>> -> memref<128x128xf32, #tpu.memory_space<hbm>>
    %dma_start3A_68 = arith.constant 0 : i32
    %dma_start3A_69 = tpu.memref_slice %arg4[%add3A_62, %dma_start3A_68] : memref<16384x128xf32, #tpu.memory_space<hbm>> -> memref<128x128xf32, #tpu.memory_space<hbm>>
    %dma_start3A_70 = arith.constant 128 : i32
    %dma_start3A_71 = arith.constant 0 : i32
    %dma_start3A_72 = tpu.memref_slice %arg6[%dma_start3A_70, %dma_start3A_71] : memref<512x128xf32, #tpu.memory_space<vmem>> -> memref<128x128xf32, #tpu.memory_space<vmem>>
    tpu.enqueue_dma source(%dma_start3A_72 : memref<128x128xf32, #tpu.memory_space<vmem>>) target(%dma_start3A_69 : memref<128x128xf32, #tpu.memory_space<hbm>>) target_semaphore(%arg8 : memref<!tpu.dma_semaphore, #tpu.memory_space<semaphore_mem>>)
    %dma_wait3A_73 = arith.constant 256 : i32
    %dma_wait3A_74 = arith.constant 0 : i32
    %dma_wait3A_75 = tpu.memref_slice %arg6[%dma_wait3A_73, %dma_wait3A_74] : memref<512x128xf32, #tpu.memory_space<vmem>> -> memref<128x128xf32, #tpu.memory_space<vmem>>
    %dma_wait3A_76 = arith.constant 256 : i32
    %dma_wait3A_77 = tpu.memref_slice %arg5[%dma_wait3A_76] : memref<512xi32, #tpu.memory_space<vmem>> -> memref<128xi32, #tpu.memory_space<vmem>>
    %dma_wait3A_78 = arith.constant 0 : i32
    %dma_wait3A_79 = arith.constant 0 : i32
    %dma_wait3A_80 = tpu.memref_slice %arg2[%dma_wait3A_78, %dma_wait3A_79] : memref<8192x128xf32, #tpu.memory_space<hbm>> -> memref<8192x128xf32, #tpu.memory_space<hbm>>
    tpu.wait_indirect_dma semaphore(%arg7 : memref<!tpu.dma_semaphore, #tpu.memory_space<semaphore_mem>>) src(%dma_wait3A_80 : memref<8192x128xf32, #tpu.memory_space<hbm>>) dst(%dma_wait3A_75 : memref<128x128xf32, #tpu.memory_space<vmem>>)
    %add3A_81 = arith.constant 256 : i32
    %add3A_82 = arith.addi %mul3A_2, %add3A_81 : i32
    %dma_start3A_83 = arith.constant 256 : i32
    %dma_start3A_84 = arith.constant 0 : i32
    %dma_start3A_85 = tpu.memref_slice %arg6[%dma_start3A_83, %dma_start3A_84] : memref<512x128xf32, #tpu.memory_space<vmem>> -> memref<128x128xf32, #tpu.memory_space<vmem>>
    %dma_start3A_86 = arith.constant 0 : i32
    %dma_start3A_87 = tpu.memref_slice %arg4[%add3A_82, %dma_start3A_86] : memref<16384x128xf32, #tpu.memory_space<hbm>> -> memref<128x128xf32, #tpu.memory_space<hbm>>
    %dma_start3A_88 = arith.constant 0 : i32
    %dma_start3A_89 = tpu.memref_slice %arg4[%add3A_82, %dma_start3A_88] : memref<16384x128xf32, #tpu.memory_space<hbm>> -> memref<128x128xf32, #tpu.memory_space<hbm>>
    %dma_start3A_90 = arith.constant 256 : i32
    %dma_start3A_91 = arith.constant 0 : i32
    %dma_start3A_92 = tpu.memref_slice %arg6[%dma_start3A_90, %dma_start3A_91] : memref<512x128xf32, #tpu.memory_space<vmem>> -> memref<128x128xf32, #tpu.memory_space<vmem>>
    tpu.enqueue_dma source(%dma_start3A_92 : memref<128x128xf32, #tpu.memory_space<vmem>>) target(%dma_start3A_89 : memref<128x128xf32, #tpu.memory_space<hbm>>) target_semaphore(%arg8 : memref<!tpu.dma_semaphore, #tpu.memory_space<semaphore_mem>>)
    %dma_wait3A_93 = arith.constant 384 : i32
    %dma_wait3A_94 = arith.constant 0 : i32
    %dma_wait3A_95 = tpu.memref_slice %arg6[%dma_wait3A_93, %dma_wait3A_94] : memref<512x128xf32, #tpu.memory_space<vmem>> -> memref<128x128xf32, #tpu.memory_space<vmem>>
    %dma_wait3A_96 = arith.constant 384 : i32
    %dma_wait3A_97 = tpu.memref_slice %arg5[%dma_wait3A_96] : memref<512xi32, #tpu.memory_space<vmem>> -> memref<128xi32, #tpu.memory_space<vmem>>
    %dma_wait3A_98 = arith.constant 0 : i32
    %dma_wait3A_99 = arith.constant 0 : i32
    %dma_wait3A_100 = tpu.memref_slice %arg2[%dma_wait3A_98, %dma_wait3A_99] : memref<8192x128xf32, #tpu.memory_space<hbm>> -> memref<8192x128xf32, #tpu.memory_space<hbm>>
    tpu.wait_indirect_dma semaphore(%arg7 : memref<!tpu.dma_semaphore, #tpu.memory_space<semaphore_mem>>) src(%dma_wait3A_100 : memref<8192x128xf32, #tpu.memory_space<hbm>>) dst(%dma_wait3A_95 : memref<128x128xf32, #tpu.memory_space<vmem>>)
    %add3A_101 = arith.constant 384 : i32
    %add3A_102 = arith.addi %mul3A_2, %add3A_101 : i32
    %dma_start3A_103 = arith.constant 384 : i32
    %dma_start3A_104 = arith.constant 0 : i32
    %dma_start3A_105 = tpu.memref_slice %arg6[%dma_start3A_103, %dma_start3A_104] : memref<512x128xf32, #tpu.memory_space<vmem>> -> memref<128x128xf32, #tpu.memory_space<vmem>>
    %dma_start3A_106 = arith.constant 0 : i32
    %dma_start3A_107 = tpu.memref_slice %arg4[%add3A_102, %dma_start3A_106] : memref<16384x128xf32, #tpu.memory_space<hbm>> -> memref<128x128xf32, #tpu.memory_space<hbm>>
    %dma_start3A_108 = arith.constant 0 : i32
    %dma_start3A_109 = tpu.memref_slice %arg4[%add3A_102, %dma_start3A_108] : memref<16384x128xf32, #tpu.memory_space<hbm>> -> memref<128x128xf32, #tpu.memory_space<hbm>>
    %dma_start3A_110 = arith.constant 384 : i32
    %dma_start3A_111 = arith.constant 0 : i32
    %dma_start3A_112 = tpu.memref_slice %arg6[%dma_start3A_110, %dma_start3A_111] : memref<512x128xf32, #tpu.memory_space<vmem>> -> memref<128x128xf32, #tpu.memory_space<vmem>>
    tpu.enqueue_dma source(%dma_start3A_112 : memref<128x128xf32, #tpu.memory_space<vmem>>) target(%dma_start3A_109 : memref<128x128xf32, #tpu.memory_space<hbm>>) target_semaphore(%arg8 : memref<!tpu.dma_semaphore, #tpu.memory_space<semaphore_mem>>)
    %dma_wait3A_113 = arith.constant 0 : i32
    %dma_wait3A_114 = arith.constant 0 : i32
    %dma_wait3A_115 = tpu.memref_slice %arg6[%dma_wait3A_113, %dma_wait3A_114] : memref<512x128xf32, #tpu.memory_space<vmem>> -> memref<128x128xf32, #tpu.memory_space<vmem>>
    %dma_wait3A_116 = arith.constant 0 : i32
    %dma_wait3A_117 = tpu.memref_slice %arg4[%add3A_42, %dma_wait3A_116] : memref<16384x128xf32, #tpu.memory_space<hbm>> -> memref<128x128xf32, #tpu.memory_space<hbm>>
    %dma_wait3A_118 = arith.constant 0 : i32
    %dma_wait3A_119 = tpu.memref_slice %arg4[%add3A_42, %dma_wait3A_118] : memref<16384x128xf32, #tpu.memory_space<hbm>> -> memref<128x128xf32, #tpu.memory_space<hbm>>
    %dma_wait3A_120 = arith.constant 0 : i32
    %dma_wait3A_121 = arith.constant 0 : i32
    %dma_wait3A_122 = tpu.memref_slice %arg6[%dma_wait3A_120, %dma_wait3A_121] : memref<512x128xf32, #tpu.memory_space<vmem>> -> memref<128x128xf32, #tpu.memory_space<vmem>>
    tpu.wait_dma2 semaphore(%arg8 : memref<!tpu.dma_semaphore, #tpu.memory_space<semaphore_mem>>) src(%dma_wait3A_122 : memref<128x128xf32, #tpu.memory_space<vmem>>) dst(%dma_wait3A_119 : memref<128x128xf32, #tpu.memory_space<hbm>>)
    %dma_wait3A_123 = arith.constant 128 : i32
    %dma_wait3A_124 = arith.constant 0 : i32
    %dma_wait3A_125 = tpu.memref_slice %arg6[%dma_wait3A_123, %dma_wait3A_124] : memref<512x128xf32, #tpu.memory_space<vmem>> -> memref<128x128xf32, #tpu.memory_space<vmem>>
    %dma_wait3A_126 = arith.constant 0 : i32
    %dma_wait3A_127 = tpu.memref_slice %arg4[%add3A_62, %dma_wait3A_126] : memref<16384x128xf32, #tpu.memory_space<hbm>> -> memref<128x128xf32, #tpu.memory_space<hbm>>
    %dma_wait3A_128 = arith.constant 0 : i32
    %dma_wait3A_129 = tpu.memref_slice %arg4[%add3A_62, %dma_wait3A_128] : memref<16384x128xf32, #tpu.memory_space<hbm>> -> memref<128x128xf32, #tpu.memory_space<hbm>>
    %dma_wait3A_130 = arith.constant 128 : i32
    %dma_wait3A_131 = arith.constant 0 : i32
    %dma_wait3A_132 = tpu.memref_slice %arg6[%dma_wait3A_130, %dma_wait3A_131] : memref<512x128xf32, #tpu.memory_space<vmem>> -> memref<128x128xf32, #tpu.memory_space<vmem>>
    tpu.wait_dma2 semaphore(%arg8 : memref<!tpu.dma_semaphore, #tpu.memory_space<semaphore_mem>>) src(%dma_wait3A_132 : memref<128x128xf32, #tpu.memory_space<vmem>>) dst(%dma_wait3A_129 : memref<128x128xf32, #tpu.memory_space<hbm>>)
    %dma_wait3A_133 = arith.constant 256 : i32
    %dma_wait3A_134 = arith.constant 0 : i32
    %dma_wait3A_135 = tpu.memref_slice %arg6[%dma_wait3A_133, %dma_wait3A_134] : memref<512x128xf32, #tpu.memory_space<vmem>> -> memref<128x128xf32, #tpu.memory_space<vmem>>
    %dma_wait3A_136 = arith.constant 0 : i32
    %dma_wait3A_137 = tpu.memref_slice %arg4[%add3A_82, %dma_wait3A_136] : memref<16384x128xf32, #tpu.memory_space<hbm>> -> memref<128x128xf32, #tpu.memory_space<hbm>>
    %dma_wait3A_138 = arith.constant 0 : i32
    %dma_wait3A_139 = tpu.memref_slice %arg4[%add3A_82, %dma_wait3A_138] : memref<16384x128xf32, #tpu.memory_space<hbm>> -> memref<128x128xf32, #tpu.memory_space<hbm>>
    %dma_wait3A_140 = arith.constant 256 : i32
    %dma_wait3A_141 = arith.constant 0 : i32
    %dma_wait3A_142 = tpu.memref_slice %arg6[%dma_wait3A_140, %dma_wait3A_141] : memref<512x128xf32, #tpu.memory_space<vmem>> -> memref<128x128xf32, #tpu.memory_space<vmem>>
    tpu.wait_dma2 semaphore(%arg8 : memref<!tpu.dma_semaphore, #tpu.memory_space<semaphore_mem>>) src(%dma_wait3A_142 : memref<128x128xf32, #tpu.memory_space<vmem>>) dst(%dma_wait3A_139 : memref<128x128xf32, #tpu.memory_space<hbm>>)
    %dma_wait3A_143 = arith.constant 384 : i32
    %dma_wait3A_144 = arith.constant 0 : i32
    %dma_wait3A_145 = tpu.memref_slice %arg6[%dma_wait3A_143, %dma_wait3A_144] : memref<512x128xf32, #tpu.memory_space<vmem>> -> memref<128x128xf32, #tpu.memory_space<vmem>>
    %dma_wait3A_146 = arith.constant 0 : i32
    %dma_wait3A_147 = tpu.memref_slice %arg4[%add3A_102, %dma_wait3A_146] : memref<16384x128xf32, #tpu.memory_space<hbm>> -> memref<128x128xf32, #tpu.memory_space<hbm>>
    %dma_wait3A_148 = arith.constant 0 : i32
    %dma_wait3A_149 = tpu.memref_slice %arg4[%add3A_102, %dma_wait3A_148] : memref<16384x128xf32, #tpu.memory_space<hbm>> -> memref<128x128xf32, #tpu.memory_space<hbm>>
    %dma_wait3A_150 = arith.constant 384 : i32
    %dma_wait3A_151 = arith.constant 0 : i32
    %dma_wait3A_152 = tpu.memref_slice %arg6[%dma_wait3A_150, %dma_wait3A_151] : memref<512x128xf32, #tpu.memory_space<vmem>> -> memref<128x128xf32, #tpu.memory_space<vmem>>
    tpu.wait_dma2 semaphore(%arg8 : memref<!tpu.dma_semaphore, #tpu.memory_space<semaphore_mem>>) src(%dma_wait3A_152 : memref<128x128xf32, #tpu.memory_space<vmem>>) dst(%dma_wait3A_149 : memref<128x128xf32, #tpu.memory_space<hbm>>)
    return
  }
}

module attributes {stable_mosaic.version = 14 : i64} {
  func.func @_conv_body(%arg0: i32, %arg1: i32, %arg2: memref<1x512x128xf32, #tpu.memory_space<vmem>>, %arg3: memref<2x1x512x128xf32, #tpu.memory_space<vmem>>, %arg4: memref<3x128x128xf32, #tpu.memory_space<vmem>>, %arg5: memref<1x128xf32, #tpu.memory_space<vmem>>, %arg6: memref<1x128x512xf32, #tpu.memory_space<vmem>>) attributes {dimension_semantics = [#tpu.dimension_semantics<parallel>, #tpu.dimension_semantics<parallel>], iteration_bounds = array<i64: 4, 4>, scalar_prefetch = 0 : i64, scratch_operands = 0 : i64, tpu.core_type = #tpu.core_type<tc>, window_params = [{transform_indices = @transform_0, window_bounds = array<i64: 1, 512, 128>}, {transform_indices = @transform_1, window_bounds = array<i64: 2, 1, 512, 128>}, {pipeline_mode = #tpu.pipeline_mode<synchronous>, transform_indices = @transform_2, window_bounds = array<i64: 3, 128, 128>}, {pipeline_mode = #tpu.pipeline_mode<synchronous>, transform_indices = @transform_3, window_bounds = array<i64: 1, 128>}, {transform_indices = @transform_4, window_bounds = array<i64: 1, 128, 512>}]} {
    %get3A = arith.constant 0 : index
    %get3A_0 = arith.constant 0 : index
    %get3A_1 = arith.constant 0 : index
    %get3A_2 = vector.load %arg4[%get3A, %get3A_0, %get3A_1] : memref<3x128x128xf32, #tpu.memory_space<vmem>>, vector<1x128x128xf32>
    %get3A_3 = vector.shape_cast %get3A_2 : vector<1x128x128xf32> to vector<128x128xf32>
    %get3A_4 = arith.constant 0 : index
    %get3A_5 = arith.constant 0 : index
    %get3A_6 = arith.constant 0 : index
    %get3A_7 = vector.load %arg2[%get3A_4, %get3A_5, %get3A_6] : memref<1x512x128xf32, #tpu.memory_space<vmem>>, vector<1x512x128xf32>
    %get3A_8 = vector.shape_cast %get3A_7 : vector<1x512x128xf32> to vector<512x128xf32>
    %dot_general3A = arith.constant dense<0.000000e+00> : vector<128x512xf32>
    %dot_general3A_9 = tpu.matmul %get3A_3, %get3A_8, %dot_general3A {dimension_numbers = #tpu.dot_dimension_numbers<[1], [1], [0], [0], [0, 0, 1, 0], [], []>, precision = #tpu.contract_precision<fp32>, transpose_lhs_hint = false} : vector<128x128xf32>, vector<512x128xf32>, vector<128x512xf32> -> vector<128x512xf32>
    %get3A_10 = arith.constant 1 : index
    %get3A_11 = arith.constant 0 : index
    %get3A_12 = arith.constant 0 : index
    %get3A_13 = vector.load %arg4[%get3A_10, %get3A_11, %get3A_12] : memref<3x128x128xf32, #tpu.memory_space<vmem>>, vector<1x128x128xf32>
    %get3A_14 = vector.shape_cast %get3A_13 : vector<1x128x128xf32> to vector<128x128xf32>
    %get3A_15 = arith.constant 0 : index
    %get3A_16 = arith.constant 0 : index
    %get3A_17 = arith.constant 0 : index
    %get3A_18 = arith.constant 0 : index
    %get3A_19 = vector.load %arg3[%get3A_15, %get3A_16, %get3A_17, %get3A_18] : memref<2x1x512x128xf32, #tpu.memory_space<vmem>>, vector<1x1x512x128xf32>
    %get3A_20 = vector.shape_cast %get3A_19 : vector<1x1x512x128xf32> to vector<512x128xf32>
    %dot_general3A_21 = arith.constant dense<0.000000e+00> : vector<128x512xf32>
    %dot_general3A_22 = tpu.matmul %get3A_14, %get3A_20, %dot_general3A_21 {dimension_numbers = #tpu.dot_dimension_numbers<[1], [1], [0], [0], [0, 0, 1, 0], [], []>, precision = #tpu.contract_precision<fp32>, transpose_lhs_hint = false} : vector<128x128xf32>, vector<512x128xf32>, vector<128x512xf32> -> vector<128x512xf32>
    %add3A = arith.addf %dot_general3A_9, %dot_general3A_22 : vector<128x512xf32>
    %get3A_23 = arith.constant 2 : index
    %get3A_24 = arith.constant 0 : index
    %get3A_25 = arith.constant 0 : index
    %get3A_26 = vector.load %arg4[%get3A_23, %get3A_24, %get3A_25] : memref<3x128x128xf32, #tpu.memory_space<vmem>>, vector<1x128x128xf32>
    %get3A_27 = vector.shape_cast %get3A_26 : vector<1x128x128xf32> to vector<128x128xf32>
    %get3A_28 = arith.constant 1 : index
    %get3A_29 = arith.constant 0 : index
    %get3A_30 = arith.constant 0 : index
    %get3A_31 = arith.constant 0 : index
    %get3A_32 = vector.load %arg3[%get3A_28, %get3A_29, %get3A_30, %get3A_31] : memref<2x1x512x128xf32, #tpu.memory_space<vmem>>, vector<1x1x512x128xf32>
    %get3A_33 = vector.shape_cast %get3A_32 : vector<1x1x512x128xf32> to vector<512x128xf32>
    %dot_general3A_34 = arith.constant dense<0.000000e+00> : vector<128x512xf32>
    %dot_general3A_35 = tpu.matmul %get3A_27, %get3A_33, %dot_general3A_34 {dimension_numbers = #tpu.dot_dimension_numbers<[1], [1], [0], [0], [0, 0, 1, 0], [], []>, precision = #tpu.contract_precision<fp32>, transpose_lhs_hint = false} : vector<128x128xf32>, vector<512x128xf32>, vector<128x512xf32> -> vector<128x512xf32>
    %add3A_36 = arith.addf %add3A, %dot_general3A_35 : vector<128x512xf32>
    %get3A_37 = arith.constant 0 : index
    %get3A_38 = arith.constant 0 : index
    %get3A_39 = vector.load %arg5[%get3A_37, %get3A_38] : memref<1x128xf32, #tpu.memory_space<vmem>>, vector<1x128xf32>
    %get3A_40 = vector.shape_cast %get3A_39 : vector<1x128xf32> to vector<128xf32>
    %broadcast_in_dim3A = vector.shape_cast %get3A_40 : vector<128xf32> to vector<128x1xf32>
    %add3A_41 = vector.broadcast %broadcast_in_dim3A : vector<128x1xf32> to vector<128x512xf32>
    %add3A_42 = arith.addf %add3A_36, %add3A_41 : vector<128x512xf32>
    %max3A = arith.constant 0.000000e+00 : f32
    %max3A_43 = vector.broadcast %max3A : f32 to vector<128x512xf32>
    %max3A_44 = arith.maximumf %add3A_42, %max3A_43 : vector<128x512xf32>
    %swap3A = arith.constant 0 : index
    %swap3A_45 = arith.constant 0 : index
    %swap3A_46 = arith.constant 0 : index
    %swap3A_47 = vector.load %arg6[%swap3A, %swap3A_45, %swap3A_46] : memref<1x128x512xf32, #tpu.memory_space<vmem>>, vector<1x128x512xf32>
    %swap3A_48 = vector.shape_cast %swap3A_47 : vector<1x128x512xf32> to vector<128x512xf32>
    %swap3A_49 = vector.shape_cast %max3A_44 : vector<128x512xf32> to vector<1x128x512xf32>
    tpu.vector_store %arg6[%swap3A, %swap3A_45, %swap3A_46], %swap3A_49 {strides = array<i32>} : memref<1x128x512xf32, #tpu.memory_space<vmem>>, vector<1x128x512xf32>,
    return
  }
  func.func @transform_0(%arg0: i32, %arg1: i32) -> (i32, i32, i32) {
    %c0_i32 = arith.constant 0 : i32
    %c0_i32_0 = arith.constant 0 : i32
    return %arg0, %arg1, %c0_i32 : i32, i32, i32
  }
  func.func @transform_1(%arg0: i32, %arg1: i32) -> (i32, i32, i32, i32) {
    %c0_i32 = arith.constant 0 : i32
    %c0_i32_0 = arith.constant 0 : i32
    %c0_i32_1 = arith.constant 0 : i32
    return %c0_i32, %arg0, %arg1, %c0_i32_0 : i32, i32, i32, i32
  }
  func.func @transform_2(%arg0: i32, %arg1: i32) -> (i32, i32, i32) {
    %c0_i32 = arith.constant 0 : i32
    %c0_i32_0 = arith.constant 0 : i32
    %c0_i32_1 = arith.constant 0 : i32
    %c0_i32_2 = arith.constant 0 : i32
    return %c0_i32, %c0_i32_0, %c0_i32_1 : i32, i32, i32
  }
  func.func @transform_3(%arg0: i32, %arg1: i32) -> (i32, i32) {
    %c0_i32 = arith.constant 0 : i32
    %c0_i32_0 = arith.constant 0 : i32
    %c0_i32_1 = arith.constant 0 : i32
    return %c0_i32, %c0_i32_0 : i32, i32
  }
  func.func @transform_4(%arg0: i32, %arg1: i32) -> (i32, i32, i32) {
    %c0_i32 = arith.constant 0 : i32
    %c0_i32_0 = arith.constant 0 : i32
    return %arg0, %c0_i32, %arg1 : i32, i32, i32
  }
}

module attributes {stable_mosaic.version = 14 : i64} {
  func.func @_topk_body(%arg0: i32, %arg1: i32, %arg2: memref<1x128x2048xf32, #tpu.memory_space<vmem>>, %arg3: memref<1x128x512xf32, #tpu.memory_space<vmem>>, %arg4: memref<512x128xf32, #tpu.memory_space<vmem>>, %arg5: memref<2x1x1x512xi32, #tpu.memory_space<vmem>>) attributes {dimension_semantics = [#tpu.dimension_semantics<parallel>, #tpu.dimension_semantics<parallel>], iteration_bounds = array<i64: 4, 4>, scalar_prefetch = 0 : i64, scratch_operands = 0 : i64, tpu.core_type = #tpu.core_type<tc>, window_params = [{transform_indices = @transform_0, window_bounds = array<i64: 1, 128, 2048>}, {transform_indices = @transform_1, window_bounds = array<i64: 1, 128, 512>}, {transform_indices = @transform_2, window_bounds = array<i64: 512, 128>}, {transform_indices = @transform_3, window_bounds = array<i64: 2, 1, 1, 512>}]} {
    %get3A = arith.constant 0 : index
    %get3A_0 = arith.constant 0 : index
    %get3A_1 = arith.constant 0 : index
    %get3A_2 = vector.load %arg2[%get3A, %get3A_0, %get3A_1] : memref<1x128x2048xf32, #tpu.memory_space<vmem>>, vector<1x128x2048xf32>
    %get3A_3 = vector.shape_cast %get3A_2 : vector<1x128x2048xf32> to vector<128x2048xf32>
    %get3A_4 = arith.constant 0 : index
    %get3A_5 = arith.constant 0 : index
    %get3A_6 = arith.constant 0 : index
    %get3A_7 = vector.load %arg3[%get3A_4, %get3A_5, %get3A_6] : memref<1x128x512xf32, #tpu.memory_space<vmem>>, vector<1x128x512xf32>
    %get3A_8 = vector.shape_cast %get3A_7 : vector<1x128x512xf32> to vector<128x512xf32>
    %mul3A = arith.constant 2.000000e+00 : f32
    %mul3A_9 = vector.broadcast %mul3A : f32 to vector<128x512xf32>
    %mul3A_10 = arith.mulf %mul3A_9, %get3A_8 : vector<128x512xf32>
    %convert_element_type3A = arith.truncf %mul3A_10 : vector<128x512xf32> to vector<128x512xbf16>
    %convert_element_type3A_11 = arith.truncf %get3A_3 : vector<128x2048xf32> to vector<128x2048xbf16>
    %dot_general3A = arith.constant dense<0.000000e+00> : vector<512x2048xf32>
    %dot_general3A_12 = tpu.matmul %convert_element_type3A, %convert_element_type3A_11, %dot_general3A {dimension_numbers = #tpu.dot_dimension_numbers<[0], [0], [1], [1], [0, 1, 1, 1], [], []>, transpose_lhs_hint = false} : vector<128x512xbf16>, vector<128x2048xbf16>, vector<512x2048xf32> -> vector<512x2048xf32>
    %mul3A_13 = arith.mulf %get3A_3, %get3A_3 : vector<128x2048xf32>
    %reduce_sum3A = arith.constant dense<0.000000e+00> : vector<2048xf32>
    %reduce_sum3A_14 = vector.multi_reduction <add>, %mul3A_13, %reduce_sum3A [0] : vector<128x2048xf32> to vector<2048xf32>
    %broadcast_in_dim3A = vector.shape_cast %reduce_sum3A_14 : vector<2048xf32> to vector<1x2048xf32>
    %mul3A_15 = arith.mulf %get3A_8, %get3A_8 : vector<128x512xf32>
    %reduce_sum3A_16 = arith.constant dense<0.000000e+00> : vector<512xf32>
    %reduce_sum3A_17 = vector.multi_reduction <add>, %mul3A_15, %reduce_sum3A_16 [0] : vector<128x512xf32> to vector<512xf32>
    %broadcast_in_dim3A_18 = vector.shape_cast %reduce_sum3A_17 : vector<512xf32> to vector<512x1xf32>
    %iota3A = tpu.iota {dimensions = array<i32: 1>} : vector<512x2048xi32>
    %convert_element_type3A_19 = arith.sitofp %iota3A : vector<512x2048xi32> to vector<512x2048xf32>
    %iota3A_20 = tpu.iota {dimensions = array<i32: 0>} : vector<512x1xi32>
    %convert_element_type3A_21 = arith.sitofp %iota3A_20 : vector<512x1xi32> to vector<512x1xf32>
    %mul3A_22 = arith.constant 512 : i32
    %mul3A_23 = arith.muli %arg1, %mul3A_22 : i32
    %convert_element_type3A_24 = arith.sitofp %mul3A_23 : i32 to f32
    %add3A = vector.broadcast %convert_element_type3A_24 : f32 to vector<512x1xf32>
    %add3A_25 = arith.addf %convert_element_type3A_21, %add3A : vector<512x1xf32>
    %eq3A = vector.broadcast %add3A_25 : vector<512x1xf32> to vector<512x2048xf32>
    %eq3A_26 = arith.cmpf oeq, %convert_element_type3A_19, %eq3A : vector<512x2048xf32>
    %add3A_27 = vector.broadcast %broadcast_in_dim3A_18 : vector<512x1xf32> to vector<512x2048xf32>
    %add3A_28 = vector.broadcast %broadcast_in_dim3A : vector<1x2048xf32> to vector<512x2048xf32>
    %add3A_29 = arith.addf %add3A_27, %add3A_28 : vector<512x2048xf32>
    %sub3A = arith.subf %add3A_29, %dot_general3A_12 : vector<512x2048xf32>
    %jit3A = arith.constant 0x7F800000 : f32
    %broadcast_in_dim3A_30 = vector.broadcast %jit3A : f32 to vector<512x2048xf32>
    %select_n3A = arith.select %eq3A_26, %broadcast_in_dim3A_30, %sub3A : vector<512x2048xi1>, vector<512x2048xf32>
    %reduce_min3A = arith.constant dense<0x7F800000> : vector<512xf32>
    %reduce_min3A_31 = vector.multi_reduction <minimumf>, %select_n3A, %reduce_min3A [1] : vector<512x2048xf32> to vector<512xf32>
    %broadcast_in_dim3A_32 = vector.shape_cast %reduce_min3A_31 : vector<512xf32> to vector<512x1xf32>
    %eq3A_33 = vector.broadcast %broadcast_in_dim3A_32 : vector<512x1xf32> to vector<512x2048xf32>
    %eq3A_34 = arith.cmpf oeq, %select_n3A, %eq3A_33 : vector<512x2048xf32>
    %jit3A_35 = arith.constant 2.048000e+03 : f32
    %broadcast_in_dim3A_36 = vector.broadcast %jit3A_35 : f32 to vector<512x2048xf32>
    %select_n3A_37 = arith.select %eq3A_34, %convert_element_type3A_19, %broadcast_in_dim3A_36 : vector<512x2048xi1>, vector<512x2048xf32>
    %reduce_min3A_38 = arith.constant dense<0x7F800000> : vector<512xf32>
    %reduce_min3A_39 = vector.multi_reduction <minimumf>, %select_n3A_37, %reduce_min3A_38 [1] : vector<512x2048xf32> to vector<512xf32>
    %broadcast_in_dim3A_40 = vector.shape_cast %reduce_min3A_39 : vector<512xf32> to vector<512x1xf32>
    %eq3A_41 = vector.broadcast %broadcast_in_dim3A_40 : vector<512x1xf32> to vector<512x2048xf32>
    %eq3A_42 = arith.cmpf oeq, %select_n3A_37, %eq3A_41 : vector<512x2048xf32>
    %jit3A_43 = arith.constant 0x7F800000 : f32
    %broadcast_in_dim3A_44 = vector.broadcast %jit3A_43 : f32 to vector<512x2048xf32>
    %select_n3A_45 = arith.select %eq3A_42, %broadcast_in_dim3A_44, %select_n3A : vector<512x2048xi1>, vector<512x2048xf32>
    %reduce_min3A_46 = arith.constant dense<0x7F800000> : vector<512xf32>
    %reduce_min3A_47 = vector.multi_reduction <minimumf>, %select_n3A_45, %reduce_min3A_46 [1] : vector<512x2048xf32> to vector<512xf32>
    %broadcast_in_dim3A_48 = vector.shape_cast %reduce_min3A_47 : vector<512xf32> to vector<512x1xf32>
    %eq3A_49 = vector.broadcast %broadcast_in_dim3A_48 : vector<512x1xf32> to vector<512x2048xf32>
    %eq3A_50 = arith.cmpf oeq, %select_n3A_45, %eq3A_49 : vector<512x2048xf32>
    %jit3A_51 = arith.constant 2.048000e+03 : f32
    %broadcast_in_dim3A_52 = vector.broadcast %jit3A_51 : f32 to vector<512x2048xf32>
    %select_n3A_53 = arith.select %eq3A_50, %convert_element_type3A_19, %broadcast_in_dim3A_52 : vector<512x2048xi1>, vector<512x2048xf32>
    %reduce_min3A_54 = arith.constant dense<0x7F800000> : vector<512xf32>
    %reduce_min3A_55 = vector.multi_reduction <minimumf>, %select_n3A_53, %reduce_min3A_54 [1] : vector<512x2048xf32> to vector<512xf32>
    %broadcast_in_dim3A_56 = vector.shape_cast %reduce_min3A_55 : vector<512xf32> to vector<512x1xf32>
    %concatenate3A = tpu.concatenate %broadcast_in_dim3A_40, %broadcast_in_dim3A_56 in 1 : vector<512x1xf32>, vector<512x1xf32> -> vector<512x2xf32>
    %transpose3A = tpu.transpose %concatenate3A, [1, 0] : vector<512x2xf32> -> vector<2x512xf32>
    %convert_element_type3A_57 = arith.fptosi %transpose3A : vector<2x512xf32> to vector<2x512xi32>
    %mul3A_58 = arith.constant 2048 : i32
    %mul3A_59 = arith.muli %arg0, %mul3A_58 : i32
    %add3A_60 = vector.broadcast %mul3A_59 : i32 to vector<2x512xi32>
    %add3A_61 = arith.addi %convert_element_type3A_57, %add3A_60 : vector<2x512xi32>
    %swap3A = arith.constant 0 : index
    %swap3A_62 = arith.constant 0 : index
    %swap3A_63 = arith.constant 0 : index
    %swap3A_64 = arith.constant 0 : index
    %swap3A_65 = vector.load %arg5[%swap3A, %swap3A_62, %swap3A_63, %swap3A_64] : memref<2x1x1x512xi32, #tpu.memory_space<vmem>>, vector<2x1x1x512xi32>
    %swap3A_66 = vector.shape_cast %swap3A_65 : vector<2x1x1x512xi32> to vector<2x512xi32>
    %swap3A_67 = vector.shape_cast %add3A_61 : vector<2x512xi32> to vector<2x1x1x512xi32>
    tpu.vector_store %arg5[%swap3A, %swap3A_62, %swap3A_63, %swap3A_64], %swap3A_67 {strides = array<i32>} : memref<2x1x1x512xi32, #tpu.memory_space<vmem>>, vector<2x1x1x512xi32>,
    %transpose3A_68 = tpu.transpose %get3A_8, [1, 0] : vector<128x512xf32> -> vector<512x128xf32>
    %swap3A_69 = arith.constant 0 : index
    %swap3A_70 = arith.constant 0 : index
    %swap3A_71 = vector.load %arg4[%swap3A_69, %swap3A_70] : memref<512x128xf32, #tpu.memory_space<vmem>>, vector<512x128xf32>
    tpu.vector_store %arg4[%swap3A_69, %swap3A_70], %transpose3A_68 {strides = array<i32>} : memref<512x128xf32, #tpu.memory_space<vmem>>, vector<512x128xf32>,
    return
  }
  func.func @transform_0(%arg0: i32, %arg1: i32) -> (i32, i32, i32) {
    %c0_i32 = arith.constant 0 : i32
    %c0_i32_0 = arith.constant 0 : i32
    %c0_i32_1 = arith.constant 0 : i32
    return %arg0, %c0_i32, %c0_i32_0 : i32, i32, i32
  }
  func.func @transform_1(%arg0: i32, %arg1: i32) -> (i32, i32, i32) {
    %c0_i32 = arith.constant 0 : i32
    %c0_i32_0 = arith.constant 0 : i32
    return %arg0, %c0_i32, %arg1 : i32, i32, i32
  }
  func.func @transform_2(%arg0: i32, %arg1: i32) -> (i32, i32) {
    %mul3A = arith.constant 4 : i32
    %mul3A_0 = arith.muli %arg0, %mul3A : i32
    %add3A = arith.addi %mul3A_0, %arg1 : i32
    %c0_i32 = arith.constant 0 : i32
    %c0_i32_1 = arith.constant 0 : i32
    return %add3A, %c0_i32 : i32, i32
  }
  func.func @transform_3(%arg0: i32, %arg1: i32) -> (i32, i32, i32, i32) {
    %mul3A = arith.constant 4 : i32
    %mul3A_0 = arith.muli %arg0, %mul3A : i32
    %add3A = arith.addi %mul3A_0, %arg1 : i32
    %c0_i32 = arith.constant 0 : i32
    %c0_i32_1 = arith.constant 0 : i32
    %c0_i32_2 = arith.constant 0 : i32
    %c0_i32_3 = arith.constant 0 : i32
    return %c0_i32, %add3A, %c0_i32_1, %c0_i32_2 : i32, i32, i32, i32
  }
}

</mosaic_0001>

<sc_bundles>
// kernel: kernel.5.cloned.1.call-start
scs
__scs_entry_jumppad:
0x0: {  	(pc) =	sbr.rel $0x88, $3  }
0x1: {  	(tag) =	ssettag $0x0;
	lr =	simm.s32 $0x1  }
0x2: {  	[smem:$0x3F9E] =	sst lr;
	_ =	strace $0xD0000000  }
0x3: {  	_ = 	snop  }
0x4: {  	_ = 	snop  }
0x5: {  	_ = 	snop  }
0x6: {  	_ = 	snop  }
0x7: {  	_ = 	snop  }
__scs_overlays_trampoline_lowered:
0x8: {  	[smem:$0x3FAD] =	sst s0  }
0x9: {  	[smem:$0x3FAE] =	sst s1  }
0xa: {  	[smem:$0x3FAF] =	sst s2  }
0xb: {  	[smem:$0x3FB0] =	sst s3  }
0xc: {  	[smem:$0x3FB1] =	sst s4  }
0xd: {  	[smem:$0x3FB2] =	sst s5  }
0xe: {  	[smem:$0x3FB3] =	sst s6  }
0xf: {  	[smem:$0x3FB4] =	sst s7  }
0x10: {  	[smem:$0x3FB5] =	sst s8  }
0x11: {  	[smem:$0x3FB6] =	sst s9;
	s0 =	simm.s32 @!p0 $0x0  }
0x12: {  	s1 =	sld [smem:$0x3F9C];
	s0 =	simm.s32 @p0 $0x1  }
0x13: {  	[smem:$0x3FB7] =	sst s0;
	s0 =	simm.s32 @!p1 $0x0  }
0x14: {  	s2 =	sld [smem:$0x3F9B];
	s0 =	simm.s32 @p1 $0x1  }
0x15: {  	[smem:$0x3FB8] =	sst s0;
	s0 =	simm.s32 @!p2 $0x0  }
0x16: {  	s3 =	sld [smem:$0x3FDB];
	s0 =	simm.s32 @p2 $0x1  }
0x17: {  	s4 =	simm.s32 $0x1BF5;
	[smem:$0x3FBA] =	sst s0  }
0x18: {  	s0 =	sld [smem:$0x3F9D];
	_ =	swait.ge [sflag:s4], $0x0  }
0x19: {  	s7 =	sld [smem:$0x3F9E]  }
0x1a: {  	s8 =	sadd.s32 $0xFFFFE003, lr  }
0x1b: {  	s9 =	sadd.s32 $0xFFFFFEF7, lr;
	s5 =	simm.s32 $0xFFFFFFFF;
	p2 =	slt.u32 s8, $0xFFFFF086  }
0x1c: {  	p1 =	slt.u32 s9, $0xF7A;
	s5 =	simm.s32 @!p2 $0x0  }
0x1d: {  	s5 =	simm.s32 @p1 $0x1;
	p0 =	seq.s32 s7, s2  }
0x1e: {  	s7 =	smul.u32 @!p0 $0xF7A, s2;
	p2 =	seq.s32 @!p0 s5, $0x0  }
0x1f: {  	s9 =	smul.u32 $0xF7A, s1;
	s8 =	simm.s32 @!p0 $0x1BF5;
	p2 =	por !p2, p0  }
0x20: {  	[sflag:s8] =	ssyncset.s32 @!p0 $0xFFFFF086;
	s6 =	sadd.s32 @!p0 s3, s7;
	s7 =	simm.s32 @!p0 $0x108  }
0x21: {  	s3 =	sadd.s32 s3, s9;
	s6 =	sadd.s32 @!p0 $0x88, s6;
	s7 =	simm.s32 @p2 $0x1082  }
0x22: {  	[simem:s7], [sflag:s8] =	dma.local @!p0 [hbm:s6], $0xF7A  }
0x23: {  	s9 =	sor.u32 $0xD0000000, s2;
	s6 =	simm.s32 $0x108;
	_ =	swait.ge @!p0 [sflag:s8], $0x0  }
0x24: {  	s3 =	sadd.s32 $0x88, s3;
	s6 =	simm.s32 @!p1 $0x1082;
	[sflag:s4] =	ssyncset.s32 $0xFFFFF086  }
0x25: {  	[simem:s6], [sflag:s4] =	dma.local [hbm:s3], $0xF7A  }
0x26: {  	[smem:$0x3F9E] =	sst s1;
	(tag) =	ssettag s2;
	_ =	strace s9  }
0x27: {  	s1 =	sld [smem:$0x3FAE]  }
0x28: {  	s2 =	sld [smem:$0x3FAF]  }
0x29: {  	s4 =	sld [smem:$0x3FB1]  }
0x2a: {  	p0 =	seq.s32 s5, $0x0;
	s5 =	sld [smem:$0x3FB2]  }
0x2b: {  	s6 =	sld [smem:$0x3FB3]  }
0x2c: {  	s7 =	sld [smem:$0x3FB4]  }
0x2d: {  	s3 =	simm.s32 $0x108;
	s8 =	sld [smem:$0x3FB5]  }
0x2e: {  	s3 =	simm.s32 @!p0 $0x1082;
	s9 =	sld [smem:$0x3FB6]  }
0x2f: {  	lr =	sadd.s32 s0, s3;
	s0 =	sld [smem:$0x3FAD]  }
0x30: {  	s3 =	sld [smem:$0x3FB0]  }
0x31: {  	[smem:$0x3FB9] =	sst s10  }
0x32: {  	s10 =	sld [smem:$0x3FB7];
	_ =	sdelay $0x3  }
0x33: {  	p0 =	seq.s32 s10, $0x1;
	s10 =	sld [smem:$0x3FB9];
	_ =	sdelay $0x3  }
0x34: {  	[smem:$0x3FB9] =	sst s10  }
0x35: {  	s10 =	sld [smem:$0x3FB8];
	_ =	sdelay $0x3  }
0x36: {  	p1 =	seq.s32 s10, $0x1;
	s10 =	sld [smem:$0x3FB9];
	_ =	sdelay $0x3  }
0x37: {  	[smem:$0x3FB9] =	sst s10  }
0x38: {  	s10 =	sld [smem:$0x3FBA]  }
0x39: {  	_ = 	snop;
	(pc) =	sbr.ind lr, $3  }
0x3a: {  	_ = 	snop  }
0x3b: {  	_ = 	snop  }
0x3c: {  	p2 =	seq.s32 s10, $0x1;
	s10 =	sld [smem:$0x3FB9]  }
0x3d: {  	_ =	shalt  }
0x3e: {  	_ =	shalt  }
0x3f: {  	_ =	shalt  }
0x40: {  	_ =	shalt  }
0x41: {  	_ =	shalt  }
0x42: {  	_ =	shalt  }
0x43: {  	_ =	shalt  }
0x44: {  	_ =	shalt  }
0x45: {  	_ =	shalt  }
0x46: {  	_ =	shalt  }
0x47: {  	_ =	shalt  }
0x48: {  	_ =	shalt  }
0x49: {  	_ =	shalt  }
0x4a: {  	_ =	shalt  }
0x4b: {  	_ =	shalt  }
0x4c: {  	_ =	shalt  }
0x4d: {  	_ =	shalt  }
0x4e: {  	_ =	shalt  }
0x4f: {  	_ =	shalt  }
0x50: {  	_ =	shalt  }
0x51: {  	_ =	shalt  }
0x52: {  	_ =	shalt  }
0x53: {  	_ =	shalt  }
0x54: {  	_ =	shalt  }
0x55: {  	_ =	shalt  }
0x56: {  	_ =	shalt  }
0x57: {  	_ =	shalt  }
0x58: {  	_ =	shalt  }
0x59: {  	_ =	shalt  }
0x5a: {  	_ =	shalt  }
0x5b: {  	_ =	shalt  }
0x5c: {  	_ =	shalt  }
0x5d: {  	_ =	shalt  }
0x5e: {  	_ =	shalt  }
0x5f: {  	_ =	shalt  }
0x60: {  	_ =	shalt  }
0x61: {  	_ =	shalt  }
0x62: {  	_ =	shalt  }
0x63: {  	_ =	shalt  }
0x64: {  	_ =	shalt  }
0x65: {  	_ =	shalt  }
0x66: {  	_ =	shalt  }
0x67: {  	_ =	shalt  }
0x68: {  	_ =	shalt  }
0x69: {  	_ =	shalt  }
0x6a: {  	_ =	shalt  }
0x6b: {  	_ =	shalt  }
0x6c: {  	_ =	shalt  }
0x6d: {  	_ =	shalt  }
0x6e: {  	_ =	shalt  }
0x6f: {  	_ =	shalt  }
0x70: {  	_ =	shalt  }
0x71: {  	_ =	shalt  }
0x72: {  	_ =	shalt  }
0x73: {  	_ =	shalt  }
0x74: {  	_ =	shalt  }
0x75: {  	_ =	shalt  }
0x76: {  	_ =	shalt  }
0x77: {  	_ =	shalt  }
0x78: {  	_ =	shalt  }
0x79: {  	_ =	shalt  }
0x7a: {  	_ =	shalt  }
0x7b: {  	_ =	shalt  }
0x7c: {  	_ =	shalt  }
0x7d: {  	_ =	shalt  }
0x7e: {  	_ =	shalt  }
0x7f: {  	_ =	shalt  }
0x80: {  	_ =	shalt  }
0x81: {  	_ =	shalt  }
0x82: {  	_ =	shalt  }
0x83: {  	_ =	shalt  }
0x84: {  	_ =	shalt  }
0x85: {  	_ =	shalt  }
0x86: {  	_ =	shalt  }
0x87: {  	_ =	shalt  }
.Lfunc_end0:
.L_simem_size_0:
called_computation_lowered:
.L_overlay_start_0:
0x88: {  	s2 =	sld [smem:$0x3FD9]  }
0x89: {  	s3 =	sld [smem:$0x3FFE];
	_ =	sdelay $0x1  }
0x8a: {  	s1 =	srdreg.scid  }
0x8b: {  	s0 =	sand.u32 $0x1, s1  }
0x8c: {  	s17 =	sshll.u32 s0, $0xA;
	s2 =	sadd.s32 s3, s2  }
0x8d: {  	s2 =	sadd.s32 s2, s17  }
0x8e: {  	[smem:$0x3FC5] =	sst s2  }
0x8f: {  	_ = 	snop  }
0x90: {  	s2 =	sld [smem:$0x3FD0];
	(tm) =	ssettm $0x1  }
0x91: {  	s18 =	sld [smem:$0x3FFB];
	_ =	sdelay $0x3  }
0x92: {  	_ =	strace s18  }
0x93: {  	s3 =	sld [smem:$0x3FFC];
	_ =	sdelay $0x3  }
0x94: {  	_ =	strace s3  }
0x95: {  	s3 =	sld [smem:$0x3FFD];
	_ =	sdelay $0x3  }
0x96: {  	_ =	strace s3  }
0x97: {  	_ =	strace $0x8FFFFFFF  }
0x98: {  	s19 =	sld [smem:$0x3FDB];
	_ =	sdelay $0x1  }
0x99: {  	s4 =	simm.s32 $_scs_section_size  }
0x9a: {  	s5 =	simm.s32 $_size__tile_overlayer_lowered;
	s6 =	simm.s32 $_tile_overlayer_lowered  }
0x9b: {  	s22 =	simm.s32 $0x1BFF;
	s21 =	sshll.u32 s6, $0x1;
	s3 =	sadd.s32 s4, s19  }
0x9c: {  	s7 =	simm.s32 $0x0;
	s20 =	sshll.u32 s5, $0x1;
	s5 =	sadd.s32 s21, s3  }
0x9d: {  	[timem:s7], [sflag:s22] =	dma.local [hbm:s5], s20  }
0x9e: {  	_ =	swait.ge [sflag:s22], s20  }
0x9f: {  	s4 =	ssub.s32 $0x0, s20;
	[sflag:s22] =	ssyncset.done $0x0  }
0xa0: {  	[sflag:s22] =	ssyncadd.s32 s4;
	_ =	sdelay $0x1  }
0xa1: {  	s23 =	simm.s32 $0x1B8B  }
0xa2: {  	_ =	swait.ge [sflag:s23], $0x1  }
0xa3: {  	[sflag:s23] =	ssyncset.done $0x0  }
0xa4: {  	s25 =	simm.s32 $0x1B8E;
	s24 =	sld [smem:$0x3FFE];
	[sflag:s23] =	ssyncadd.s32 $0xFFFFFFFF  }
0xa5: {  	s26 =	simm.s32 $execute0_lowered;
	[smem:$0x3FD2] =	sst s25  }
0xa6: {  	s5 =	sshll.u32 s26, $0x1;
	_ =	strace $0x80000046;
	[dreg:$0x1] =	wrdreg $0xFFFFFFFF  }
0xa7: {  	s28 =	simm.s32 $_size_execute0_lowered;
	s3 =	sadd.s32 s3, s5;
	[dreg:$0x0] =	wrdreg $0x0  }
0xa8: {  	s5 =	sshll.u32 s28, $0x1;
	[dreg:$0x2] =	wrdreg s3  }
0xa9: {  	[dreg:$0x3] =	wrdreg s5  }
0xaa: {  	[dreg:$0x4] =	wrdreg $0xC0  }
0xab: {  	_ =	task [dreg:s7], $0x5FFFF  }
0xac: {  	[dreg:$0x1] =	wrdreg $0xFFFFFFFF  }
0xad: {  	[dreg:$0x0] =	wrdreg $0x60  }
0xae: {  	[dreg:$0x2] =	wrdreg s2  }
0xaf: {  	[dreg:$0x3] =	wrdreg s24  }
0xb0: {  	[dreg:$0x4] =	wrdreg $0x9  }
0xb1: {  	_ =	task.clear_ibuf [dreg:s7], $0x5FFFF;
	_ =	strace $0x90000046  }
0xb2: {  	s29 =	simm.s32 $0x9;
	_ =	strace $0x80000048  }
0xb3: {  	_ =	swait.ge [sflag:s29], $0x1  }
0xb4: {  	[sflag:s29] =	ssyncadd.s32 $0xFFFFFFFF  }
0xb5: {  	_ =	strace $0x90000048  }
0xb6: {  	_ =	sfence  }
0xb7: {  	s30 =	sld [smem:$0x0];
	_ =	sdelay $0x2  }
0xb8: {  	s31 =	sshll.u32 s1, $0xD;
	s1 =	sshrl.u32 s1, $0x2  }
0xb9: {  	s3 =	sand.u32 $0x4000, s31;
	s1 =	sadd.s32 s1, s30  }
0xba: {  	s0 =	sor.u32 s3, s0;
	s1 =	sshll.u32 s1, $0x11  }
0xbb: {  	s0 =	sor.u32 s1, s0  }
0xbc: {  	s0 =	sadd.s32 $0x8F2B, s0  }
0xbd: {  	[sflag:s0] =	ssyncadd.remote.s32 $0x1  }
0xbe: {  	_ =	sfence.sel $0xFFFF  }
0xbf: {  	[dreg:$0x0] =	wrdreg $0xFFFFFFFF;
	(pc) =	sbr.abs _section_cstart, $3  }
0xc0: {  	[dreg:$0x1] =	wrdreg $0xFFFFFFFF  }
0xc1: {  	_ =	task.clear_ibuf [dreg:s7], $0x2FFFF;
	_ =	strace $0x9FFFFFFF  }
0xc2: {  	(tm) =	ssettm $0x7FFFFFFF  }
0xc3: {  	_ =	shalt  }
tec
execute0_lowered:
.L_overlay_start_1:
0x0: {  	(tag) =	ssettag $0x1  }
0x1: {  	s1 =	srdreg.scid  }
0x2: {  	s0 =	stileid.u32;
	s19 =	sand.u32 $0x1, s1  }
0x3: {  	s31 =	sshll.u32 s0, $0xA;
	s3 =	sshll.u32 s19, $0x9  }
0x4: {  	s2 =	rddreg [dreg:$0x0];
	s15 =	sor.u32 s3, s31  }
0x5: {  	s14 =	rddreg [dreg:$0x1];
	s3 =	simm.s32 $0x0;
	s4 =	sshrl.u32 s15, $0x3  }
0x6: {  	s5 =	simm.s32 $0x3;
	[smem:$0x7FF] =	sst s3;
	s4 =	sadd.s32 s4, s14  }
0x7: {  	s1 =	rddreg [dreg:$0x2];
	_ =	strace $0x80000047;
	s4 =	sadd.s32 $0x1400, s4  }
0x8: {  	[tilespmem:s3], [sflag:$0x3] =	stream.linear.gather [hbm4b:s4+s3], $0x200, $0x38;
	[tilespmem:$0x10200] =	vst v63  }
0x9: {  	_ =	swait.ge [sflag:s5], $0x200  }
0xa: {  	[sflag:s5] =	ssyncset.done $0x0  }
0xb: {  	s6 =	simm.s32 $0x80;
	s7 =	simm.s32 $0x200;
	[sflag:s5] =	ssyncadd.s32 $0xFFFFFE00  }
0xc: {  	[tilespmem:s7], [sflag:$0x1] =	stream.indirect.gather [hbm4b:s2+s6], $0x80, s3, s6, $0xb8;
	[tilespmem:$0x10200] =	vst v63  }
0xd: {  	s8 =	simm.s32 $0x4200  }
0xe: {  	[tilespmem:s8], [sflag:$0x1] =	stream.indirect.gather [hbm4b:s2+s6], $0x80, s6, s6, $0xb8;
	[tilespmem:$0x10200] =	vst v63  }
0xf: {  	s9 =	simm.s32 $0x100;
	s10 =	simm.s32 $0x8200  }
0x10: {  	[tilespmem:s10], [sflag:$0x1] =	stream.indirect.gather [hbm4b:s2+s6], $0x80, s9, s6, $0xb8;
	[tilespmem:$0x10200] =	vst v63  }
0x11: {  	s11 =	simm.s32 $0x180;
	s12 =	simm.s32 $0xC200;
	s13 =	simm.s32 $0x1  }
0x12: {  	[tilespmem:s12], [sflag:$0x1] =	stream.indirect.gather [hbm4b:s2+s6], $0x80, s11, s6, $0xb8;
	[tilespmem:$0x10200] =	vst v63  }
0x13: {  	s15 =	sshll.u32 s15, $0x4;
	_ =	swait.ge [sflag:s13], $0x4000  }
0x14: {  	s17 =	sadd.s32 s15, s14;
	[sflag:s13] =	ssyncset.done $0x0  }
0x15: {  	s14 =	sadd.s32 $0x1C00, s17;
	[sflag:s13] =	ssyncadd.s32 $0xFFFFC000  }
0x16: {  	[hbm4b:s14+s3] =	stream.linear.scatter [tilespmem:s7], [sflag:$0x2], $0x4000, $0x38;
	[tilespmem:$0x10200] =	vst v63  }
0x17: {  	_ =	swait.ge [sflag:s13], $0x4000  }
0x18: {  	[sflag:s13] =	ssyncset.done $0x0  }
0x19: {  	s15 =	sadd.s32 $0x2400, s17;
	[sflag:s13] =	ssyncadd.s32 $0xFFFFC000  }
0x1a: {  	[hbm4b:s15+s3] =	stream.linear.scatter [tilespmem:s8], [sflag:$0x2], $0x4000, $0x38;
	[tilespmem:$0x10200] =	vst v63  }
0x1b: {  	_ =	swait.ge [sflag:s13], $0x4000  }
0x1c: {  	[sflag:s13] =	ssyncset.done $0x0  }
0x1d: {  	s16 =	sadd.s32 $0x2C00, s17;
	[sflag:s13] =	ssyncadd.s32 $0xFFFFC000  }
0x1e: {  	[hbm4b:s16+s3] =	stream.linear.scatter [tilespmem:s10], [sflag:$0x2], $0x4000, $0x38;
	[tilespmem:$0x10200] =	vst v63  }
0x1f: {  	_ =	swait.ge [sflag:s13], $0x4000  }
0x20: {  	[sflag:s13] =	ssyncset.done $0x0  }
0x21: {  	s18 =	sadd.s32 $0x3400, s17;
	s17 =	simm.s32 $0x2;
	[sflag:s13] =	ssyncadd.s32 $0xFFFFC000  }
0x22: {  	[hbm4b:s18+s3] =	stream.linear.scatter [tilespmem:s12], [sflag:$0x2], $0x4000, $0x38;
	[tilespmem:$0x10200] =	vst v63  }
0x23: {  	_ =	swait.ge [sflag:s17], $0x4000  }
0x24: {  	s19 =	ssub.s32 $0x2, s19;
	[sflag:s17] =	ssyncset.done $0x0  }
0x25: {  	s20 =	sshrl.u32 s19, $0x1;
	[sflag:s17] =	ssyncadd.s32 $0xFFFFC000  }
0x26: {  	s19 =	ssub.s32 s19, s20;
	_ =	swait.ge [sflag:s17], $0x4000  }
0x27: {  	s19 =	smax.u32 s19, $0x1;
	[sflag:s17] =	ssyncset.done $0x0  }
0x28: {  	p0 =	sne.s32 s19, $0x1;
	[sflag:s17] =	ssyncadd.s32 $0xFFFFC000  }
.Ltmp0:
0x29: {  	_ =	swait.ge [sflag:s17], $0x4000;
	(pc) =	sbr.rel @!p0 .LBB2_2-.Ltmp0, $4  }
0x2a: {  	[sflag:s17] =	ssyncset.done $0x0  }
0x2b: {  	[sflag:s17] =	ssyncadd.s32 $0xFFFFC000  }
0x2c: {  	_ =	swait.ge [sflag:s17], $0x4000  }
0x2d: {  	s19 =	sadd.s32 $0xFFFFFFFF, s19;
	[sflag:s17] =	ssyncset.done $0x0  }
.LBB2_1:
0x2e: {  	p0 =	sne.s32 s19, $0x1;
	s19 =	sadd.s32 $0xFFFFFFFF, s19;
	[sflag:s17] =	ssyncadd.s32 $0xFFFFC000  }
0x2f: {  	[tilespmem:s3], [sflag:$0x3] =	stream.linear.gather [hbm4b:s4+s3], $0x200, $0x38;
	[tilespmem:$0x10200] =	vst v63  }
0x30: {  	_ =	swait.ge [sflag:s5], $0x200  }
0x31: {  	[sflag:s5] =	ssyncset.done $0x0  }
0x32: {  	[sflag:s5] =	ssyncadd.s32 $0xFFFFFE00  }
0x33: {  	[tilespmem:s7], [sflag:$0x1] =	stream.indirect.gather [hbm4b:s2+s6], $0x80, s3, s6, $0xb8;
	[tilespmem:$0x10200] =	vst v63  }
0x34: {  	_ = 	snop  }
0x35: {  	[tilespmem:s8], [sflag:$0x1] =	stream.indirect.gather [hbm4b:s2+s6], $0x80, s6, s6, $0xb8;
	[tilespmem:$0x10200] =	vst v63  }
0x36: {  	_ = 	snop  }
0x37: {  	[tilespmem:s10], [sflag:$0x1] =	stream.indirect.gather [hbm4b:s2+s6], $0x80, s9, s6, $0xb8;
	[tilespmem:$0x10200] =	vst v63  }
0x38: {  	_ = 	snop  }
0x39: {  	[tilespmem:s12], [sflag:$0x1] =	stream.indirect.gather [hbm4b:s2+s6], $0x80, s11, s6, $0xb8;
	[tilespmem:$0x10200] =	vst v63  }
0x3a: {  	_ =	swait.ge [sflag:s13], $0x4000  }
0x3b: {  	[sflag:s13] =	ssyncset.done $0x0  }
0x3c: {  	[sflag:s13] =	ssyncadd.s32 $0xFFFFC000  }
0x3d: {  	[hbm4b:s14+s3] =	stream.linear.scatter [tilespmem:s7], [sflag:$0x2], $0x4000, $0x38;
	[tilespmem:$0x10200] =	vst v63  }
0x3e: {  	_ =	swait.ge [sflag:s13], $0x4000  }
0x3f: {  	[sflag:s13] =	ssyncset.done $0x0  }
0x40: {  	[sflag:s13] =	ssyncadd.s32 $0xFFFFC000  }
0x41: {  	[hbm4b:s15+s3] =	stream.linear.scatter [tilespmem:s8], [sflag:$0x2], $0x4000, $0x38;
	[tilespmem:$0x10200] =	vst v63  }
0x42: {  	_ =	swait.ge [sflag:s13], $0x4000  }
0x43: {  	[sflag:s13] =	ssyncset.done $0x0  }
0x44: {  	[sflag:s13] =	ssyncadd.s32 $0xFFFFC000  }
0x45: {  	[hbm4b:s16+s3] =	stream.linear.scatter [tilespmem:s10], [sflag:$0x2], $0x4000, $0x38;
	[tilespmem:$0x10200] =	vst v63  }
0x46: {  	_ =	swait.ge [sflag:s13], $0x4000  }
0x47: {  	[sflag:s13] =	ssyncset.done $0x0  }
0x48: {  	[sflag:s13] =	ssyncadd.s32 $0xFFFFC000  }
0x49: {  	[hbm4b:s18+s3] =	stream.linear.scatter [tilespmem:s12], [sflag:$0x2], $0x4000, $0x38;
	[tilespmem:$0x10200] =	vst v63  }
0x4a: {  	_ =	swait.ge [sflag:s17], $0x4000  }
0x4b: {  	[sflag:s17] =	ssyncset.done $0x0  }
0x4c: {  	[sflag:s17] =	ssyncadd.s32 $0xFFFFC000  }
0x4d: {  	_ =	swait.ge [sflag:s17], $0x4000  }
0x4e: {  	[sflag:s17] =	ssyncset.done $0x0  }
0x4f: {  	[sflag:s17] =	ssyncadd.s32 $0xFFFFC000  }
.Ltmp1:
0x50: {  	_ =	swait.ge [sflag:s17], $0x4000;
	(pc) =	sbr.rel @p0 .LBB2_1-.Ltmp1, $4  }
0x51: {  	[sflag:s17] =	ssyncset.done $0x0  }
0x52: {  	[sflag:s17] =	ssyncadd.s32 $0xFFFFC000  }
0x53: {  	_ =	swait.ge [sflag:s17], $0x4000  }
0x54: {  	[sflag:s17] =	ssyncset.done $0x0  }
.LBB2_2:
0x55: {  	[sflag:s17] =	ssyncadd.s32 $0xFFFFC000  }
0x56: {  	_ =	sfence.sel $0x180000  }
0x57: {  	[bflag:$0x0] =	sbarrier.arrive $0xFFFF  }
0x58: {  	p0 =	sne.s32 s0, $0x0;
	_ =	strace $0x90000047  }
0x59: {  	s0 =	sadd.s32 @!p0 $0x100000, s1;
	[bflag:$0x2] =	sbarrier.arrive $0xFFFF  }
0x5a: {  	[sflag:s0] =	ssyncadd.tile.s32 @!p0 $0x1;
	_ =	shalt  }
.Lfunc_end2:
_tile_overlayer_lowered:
.L_overlay_start_2:
0x5b: {  	(tag) =	ssettag $0x2  }
0x5c: {  	s0 =	rddreg [dreg:$0x0];
	s2 =	stileid.u32  }
0x5d: {  	s1 =	rddreg [dreg:$0x1];
	p0 =	sne.s32 s2, $0x0  }
0x5e: {  	s3 =	rddreg [dreg:$0x2];
	[bflag:$0x3] =	sbarrier.arrive $0xFFFF;
	s2 =	simm.s32 @!p0 $0x1C03  }
0x5f: {  	[timem:s3], [sflag:s2] =	dma.local @!p0 [hbm:s0], s1  }
0x60: {  	s0 =	simm.s32 @!p0 $0x3  }
0x61: {  	_ =	swait.ge @!p0 [sflag:s0], s1  }
0x62: {  	s1 =	ssub.s32 @!p0 $0x0, s1;
	[sflag:s0] =	ssyncset.done @!p0 $0x0  }
0x63: {  	[sflag:s0] =	ssyncadd.s32 @!p0 s1  }
0x64: {  	[bflag:$0x3] =	sbarrier.arrive $0xFFFF  }
0x65: {  	_ =	shalt  }

</sc_bundles>
